<compile_context>
chip_gen: v7x
topology: tpu7x:2x2x1
jax: 0.10.2.dev20260603
libtpu: 0.0.44.dev20260713+nightly
codegen_flags: <defaults>
</compile_context>

<pallas_src>
import functools

import jax
import jax.numpy as jnp
from jax import lax
from jax.experimental import pallas as pl
from jax.experimental.pallas import tpu as pltpu
from jax.experimental.pallas import tpu_sc as plsc

_DIM = 1000
_BATCH = 16384
_LANES = 16
_NW = 32
_COLS_PER_W = _BATCH // _NW
_SLAB = 128
_NSLAB = _COLS_PER_W // _SLAB
_CHUNK_ROWS = 200
_NCHUNK = _DIM // _CHUNK_ROWS


def _one_hot_t(labels):
    mesh = plsc.VectorSubcoreMesh(core_axis_name="c", subcore_axis_name="s")

    @functools.partial(
        pl.kernel,
        mesh=mesh,
        out_type=jax.ShapeDtypeStruct((_DIM, _BATCH), jnp.float32),
        scratch_types=[
            pltpu.VMEM((_COLS_PER_W,), jnp.int32),
            pltpu.VMEM((_DIM, _SLAB), jnp.float32),
            pltpu.SemaphoreType.DMA((_NCHUNK,)),
            pltpu.SemaphoreType.DMA,
        ],
        compiler_params=pltpu.CompilerParams(needs_layout_passes=False),
    )
    def k(labels_hbm, out_hbm, lab_v, buf_v, sems, slab):
        wid = lax.axis_index("c") * (_NW // 2) + lax.axis_index("s")
        col0 = wid * _COLS_PER_W
        lab_handle = pltpu.async_copy(
            labels_hbm.at[pl.ds(col0 * 1, _COLS_PER_W)], lab_v, slab)

        zeros16 = jnp.zeros((_LANES,), jnp.float32)
        ones16 = jnp.ones((_LANES,), jnp.float32)
        iota16 = lax.iota(jnp.int32, _LANES)

        def zero_chunk(kc):
            def zero_body(r, _):
                for cs in range(0, _SLAB, _LANES):
                    buf_v[r, pl.ds(cs, _LANES)] = zeros16
                return 0

            lax.fori_loop(kc * _CHUNK_ROWS, (kc + 1) * _CHUNK_ROWS,
                          zero_body, 0)

        def scatter_masked(s, kc, val):
            r0 = kc * _CHUNK_ROWS

            def g_body(g, _):
                lab = lab_v[pl.ds(s * _SLAB + g * _LANES, _LANES)]
                mask = (lab >= r0) & (lab < r0 + _CHUNK_ROWS)
                cols = iota16 + g * _LANES
                plsc.store_scatter(buf_v, [lab, cols], val, mask=mask)
                return 0

            lax.fori_loop(0, _SLAB // _LANES, g_body, 0)

        def fire(s, kc):
            r0 = kc * _CHUNK_ROWS
            pltpu.async_copy(
                buf_v.at[pl.ds(r0, _CHUNK_ROWS)],
                out_hbm.at[pl.ds(r0, _CHUNK_ROWS),
                           pl.ds(col0 + s * _SLAB, _SLAB)],
                sems.at[kc],
            )

        def drain(s, kc):
            r0 = kc * _CHUNK_ROWS
            pltpu.make_async_copy(
                buf_v.at[pl.ds(r0, _CHUNK_ROWS)],
                out_hbm.at[pl.ds(r0, _CHUNK_ROWS),
                           pl.ds(col0 + s * _SLAB, _SLAB)],
                sems.at[kc],
            ).wait()

        def prologue_body(kc, _):
            zero_chunk(kc)
            scatter_masked(0, kc, ones16)
            fire(0, kc)
            return 0

        zero_chunk(0)
        lab_handle.wait()
        scatter_masked(0, 0, ones16)
        fire(0, 0)
        lax.fori_loop(1, _NCHUNK, prologue_body, 0)

        def s_body(s, _):
            def kc_body(kc, _):
                drain(s - 1, kc)
                scatter_masked(s - 1, kc, zeros16)
                scatter_masked(s, kc, ones16)
                fire(s, kc)
                return 0

            lax.fori_loop(0, _NCHUNK, kc_body, 0)
            return 0

        lax.fori_loop(1, _NSLAB, s_body, 0)

        def drain_body(kc, _):
            drain(_NSLAB - 1, kc)
            return 0

        lax.fori_loop(0, _NCHUNK, drain_body, 0)

    return k(labels)


def kernel(labels, eye):
    del eye
    return _one_hot_t(labels.astype(jnp.int32)).T

# --- scband reference (transcript-rebuilt; emitter-appended) ---
"""Pipeline reference for scband-one-hot-encoder-46308337385581 (READ-ONLY COPY).

The authoritative reference and input builder live on the scoring server;
editing this copy changes nothing except your own understanding.
"""

import jax, jax.numpy as jnp
import numpy as np

DIM = 1000
BATCH = 16384

def setup_inputs(seed: int = 0) -> dict:
    key = jax.random.key(seed)
    labels = jax.random.randint(key, (BATCH,), 0, DIM, dtype=jnp.int64 if jax.config.read('jax_enable_x64') else jnp.int32)
    eye = jnp.eye(DIM, dtype=jnp.float32)
    return {"labels": labels, "eye": eye}

def reference(labels, eye):
    # OneHotEncoder.forward: return self.eye[labels]
    return jnp.take(eye, labels, axis=0)

if __name__ == "__main__":
    import jax
    _d = setup_inputs()
    print(jax.jit(kernel)(*tuple(_d.values())))

</pallas_src>

<mosaic_0001>
#map = affine_map<(d0, d1) -> (0)>
#map1 = affine_map<(d0, d1) -> (0, 0)>
module attributes {stable_mosaic.version = 14 : i64} {
  func.func @k(%arg0: i32, %arg1: i32, %arg2: memref<16384xi32, #tpu.memory_space<hbm>>, %arg3: memref<1000x16384xf32, #tpu.memory_space<hbm>>, %arg4: memref<512xi32, #tpu.memory_space<vmem>>, %arg5: memref<1000x128xf32, #tpu.memory_space<vmem>>, %arg6: memref<5x!tpu.dma_semaphore, #tpu.memory_space<semaphore_mem>>, %arg7: memref<!tpu.dma_semaphore, #tpu.memory_space<semaphore_mem>>) attributes {dimension_semantics = [#tpu.dimension_semantics<core_parallel>, #tpu.dimension_semantics<subcore_parallel>], iteration_bounds = array<i64: 2, 16>, scalar_prefetch = 0 : i64, scratch_operands = 4 : i64, tpu.core_type = #tpu.core_type<sc_vector_subcore>, window_params = [{transform_indices = #map}, {transform_indices = #map1}]} {
    %mul3A = arith.constant 16 : i32
    %mul3A_0 = arith.muli %arg0, %mul3A : i32
    %add3A = arith.addi %mul3A_0, %arg1 : i32
    %mul3A_1 = arith.constant 512 : i32
    %mul3A_2 = arith.muli %add3A, %mul3A_1 : i32
    %mul3A_3 = arith.constant 1 : i32
    %mul3A_4 = arith.muli %mul3A_2, %mul3A_3 : i32
    %dma_start3A = tpu.memref_slice %arg2[%mul3A_4] : memref<16384xi32, #tpu.memory_space<hbm>> -> memref<512xi32, #tpu.memory_space<hbm>>
    %dma_start3A_5 = tpu.memref_slice %arg2[%mul3A_4] : memref<16384xi32, #tpu.memory_space<hbm>> -> memref<512xi32, #tpu.memory_space<hbm>>
    tpu.enqueue_dma source(%dma_start3A_5 : memref<512xi32, #tpu.memory_space<hbm>>) target(%arg4 : memref<512xi32, #tpu.memory_space<vmem>>) target_semaphore(%arg7 : memref<!tpu.dma_semaphore, #tpu.memory_space<semaphore_mem>>)
    %broadcast_in_dim3A = arith.constant 0.000000e+00 : f32
    %broadcast_in_dim3A_6 = vector.broadcast %broadcast_in_dim3A : f32 to vector<16xf32>
    %broadcast_in_dim3A_7 = arith.constant 1.000000e+00 : f32
    %broadcast_in_dim3A_8 = vector.broadcast %broadcast_in_dim3A_7 : f32 to vector<16xf32>
    %iota3A = tpu.iota {dimensions = array<i32: 0>} : vector<16xi32>
    %scan3A = arith.constant 0 : i32
    %scan3A_9 = arith.constant 0 : i32
    %scan3A_10 = arith.constant 200 : i32
    %scan3A_11 = arith.addi %scan3A_9, %scan3A_10 : i32
    %scan3A_12 = arith.constant 1 : i32
    %scan3A_13 = scf.for %scan3A_59 = %scan3A_9 to %scan3A_11 step %scan3A_12 iter_args(%scan3A_60 = %scan3A) -> (i32)  : i32 {
      %swap3A = arith.index_cast %scan3A_59 : i32 to index
      %swap3A_61 = arith.constant 0 : index
      %swap3A_62 = tpu.vector_load %arg5[%swap3A, %swap3A_61] {strides = array<i32>} : memref<1000x128xf32, #tpu.memory_space<vmem>>, vector<16xf32>,
      tpu.vector_store %arg5[%swap3A, %swap3A_61], %broadcast_in_dim3A_6 {strides = array<i32>} : memref<1000x128xf32, #tpu.memory_space<vmem>>, vector<16xf32>,
      %swap3A_63 = arith.index_cast %scan3A_59 : i32 to index
      %swap3A_64 = arith.constant 16 : index
      %swap3A_65 = tpu.vector_load %arg5[%swap3A_63, %swap3A_64] {strides = array<i32>} : memref<1000x128xf32, #tpu.memory_space<vmem>>, vector<16xf32>,
      tpu.vector_store %arg5[%swap3A_63, %swap3A_64], %broadcast_in_dim3A_6 {strides = array<i32>} : memref<1000x128xf32, #tpu.memory_space<vmem>>, vector<16xf32>,
      %swap3A_66 = arith.index_cast %scan3A_59 : i32 to index
      %swap3A_67 = arith.constant 32 : index
      %swap3A_68 = tpu.vector_load %arg5[%swap3A_66, %swap3A_67] {strides = array<i32>} : memref<1000x128xf32, #tpu.memory_space<vmem>>, vector<16xf32>,
      tpu.vector_store %arg5[%swap3A_66, %swap3A_67], %broadcast_in_dim3A_6 {strides = array<i32>} : memref<1000x128xf32, #tpu.memory_space<vmem>>, vector<16xf32>,
      %swap3A_69 = arith.index_cast %scan3A_59 : i32 to index
      %swap3A_70 = arith.constant 48 : index
      %swap3A_71 = tpu.vector_load %arg5[%swap3A_69, %swap3A_70] {strides = array<i32>} : memref<1000x128xf32, #tpu.memory_space<vmem>>, vector<16xf32>,
      tpu.vector_store %arg5[%swap3A_69, %swap3A_70], %broadcast_in_dim3A_6 {strides = array<i32>} : memref<1000x128xf32, #tpu.memory_space<vmem>>, vector<16xf32>,
      %swap3A_72 = arith.index_cast %scan3A_59 : i32 to index
      %swap3A_73 = arith.constant 64 : index
      %swap3A_74 = tpu.vector_load %arg5[%swap3A_72, %swap3A_73] {strides = array<i32>} : memref<1000x128xf32, #tpu.memory_space<vmem>>, vector<16xf32>,
      tpu.vector_store %arg5[%swap3A_72, %swap3A_73], %broadcast_in_dim3A_6 {strides = array<i32>} : memref<1000x128xf32, #tpu.memory_space<vmem>>, vector<16xf32>,
      %swap3A_75 = arith.index_cast %scan3A_59 : i32 to index
      %swap3A_76 = arith.constant 80 : index
      %swap3A_77 = tpu.vector_load %arg5[%swap3A_75, %swap3A_76] {strides = array<i32>} : memref<1000x128xf32, #tpu.memory_space<vmem>>, vector<16xf32>,
      tpu.vector_store %arg5[%swap3A_75, %swap3A_76], %broadcast_in_dim3A_6 {strides = array<i32>} : memref<1000x128xf32, #tpu.memory_space<vmem>>, vector<16xf32>,
      %swap3A_78 = arith.index_cast %scan3A_59 : i32 to index
      %swap3A_79 = arith.constant 96 : index
      %swap3A_80 = tpu.vector_load %arg5[%swap3A_78, %swap3A_79] {strides = array<i32>} : memref<1000x128xf32, #tpu.memory_space<vmem>>, vector<16xf32>,
      tpu.vector_store %arg5[%swap3A_78, %swap3A_79], %broadcast_in_dim3A_6 {strides = array<i32>} : memref<1000x128xf32, #tpu.memory_space<vmem>>, vector<16xf32>,
      %swap3A_81 = arith.index_cast %scan3A_59 : i32 to index
      %swap3A_82 = arith.constant 112 : index
      %swap3A_83 = tpu.vector_load %arg5[%swap3A_81, %swap3A_82] {strides = array<i32>} : memref<1000x128xf32, #tpu.memory_space<vmem>>, vector<16xf32>,
      tpu.vector_store %arg5[%swap3A_81, %swap3A_82], %broadcast_in_dim3A_6 {strides = array<i32>} : memref<1000x128xf32, #tpu.memory_space<vmem>>, vector<16xf32>,
      %scan3A_84 = arith.constant 0 : i32
      scf.yield %scan3A_84 : i32
    }
    %scan3A_14 = arith.constant 200 : i32
    %dma_wait3A = tpu.memref_slice %arg2[%mul3A_4] : memref<16384xi32, #tpu.memory_space<hbm>> -> memref<512xi32, #tpu.memory_space<hbm>>
    %dma_wait3A_15 = tpu.memref_slice %arg2[%mul3A_4] : memref<16384xi32, #tpu.memory_space<hbm>> -> memref<512xi32, #tpu.memory_space<hbm>>
    tpu.wait_dma2 semaphore(%arg7 : memref<!tpu.dma_semaphore, #tpu.memory_space<semaphore_mem>>) src(%dma_wait3A_15 : memref<512xi32, #tpu.memory_space<hbm>>) dst(%arg4 : memref<512xi32, #tpu.memory_space<vmem>>)
    %scan3A_16 = arith.constant 0 : i32
    %scan3A_17 = arith.constant 0 : i32
    %scan3A_18 = arith.constant 8 : i32
    %scan3A_19 = arith.addi %scan3A_17, %scan3A_18 : i32
    %scan3A_20 = arith.constant 1 : i32
    %scan3A_21 = scf.for %scan3A_59 = %scan3A_17 to %scan3A_19 step %scan3A_20 iter_args(%scan3A_60 = %scan3A_16) -> (i32)  : i32 {
      %mul3A_61 = arith.constant 16 : i32
      %mul3A_62 = arith.muli %scan3A_59, %mul3A_61 : i32
      %add3A_63 = arith.constant 0 : i32
      %add3A_64 = arith.addi %add3A_63, %mul3A_62 : i32
      %get3A = arith.index_cast %add3A_64 : i32 to index
      %get3A_65 = tpu.vector_load %arg4[%get3A] {strides = array<i32>} : memref<512xi32, #tpu.memory_space<vmem>>, vector<16xi32>,
      %ge3A = arith.constant 0 : i32
      %ge3A_66 = vector.broadcast %ge3A : i32 to vector<16xi32>
      %ge3A_67 = arith.cmpi sge, %get3A_65, %ge3A_66 : vector<16xi32>
      %lt3A = arith.constant 200 : i32
      %lt3A_68 = vector.broadcast %lt3A : i32 to vector<16xi32>
      %lt3A_69 = arith.cmpi slt, %get3A_65, %lt3A_68 : vector<16xi32>
      %and3A = arith.andi %ge3A_67, %lt3A_69 : vector<16xi1>
      %mul3A_70 = arith.constant 16 : i32
      %mul3A_71 = arith.muli %scan3A_59, %mul3A_70 : i32
      %add3A_72 = vector.broadcast %mul3A_71 : i32 to vector<16xi32>
      %add3A_73 = arith.addi %iota3A, %add3A_72 : vector<16xi32>
      tpu.vector_store_idx %arg5[%get3A_65, %add3A_73], %broadcast_in_dim3A_8 masked %and3A : memref<1000x128xf32, #tpu.memory_space<vmem>>[vector<16xi32>, vector<16xi32>], vector<16xf32>, vector<16xi1>
      %scan3A_74 = arith.constant 0 : i32
      scf.yield %scan3A_74 : i32
    }
    %scan3A_22 = arith.constant 8 : i32
    %add3A_23 = arith.constant 0 : i32
    %add3A_24 = arith.addi %mul3A_2, %add3A_23 : i32
    %dma_start3A_25 = arith.constant 0 : i32
    %dma_start3A_26 = arith.constant 0 : i32
    %dma_start3A_27 = arith.constant 0 : i32
    %dma_start3A_28 = tpu.memref_slice %arg5[%dma_start3A_26, %dma_start3A_27] : memref<1000x128xf32, #tpu.memory_space<vmem>> -> memref<200x128xf32, #tpu.memory_space<vmem>>
    %dma_start3A_29 = arith.constant 0 : i32
    %dma_start3A_30 = tpu.memref_slice %arg3[%dma_start3A_29, %add3A_24] : memref<1000x16384xf32, #tpu.memory_space<hbm>> -> memref<200x128xf32, #tpu.memory_space<hbm>>
    %dma_start3A_31 = tpu.memref_slice %arg6[%dma_start3A_25] : memref<5x!tpu.dma_semaphore, #tpu.memory_space<semaphore_mem>> -> memref<1x!tpu.dma_semaphore, #tpu.memory_space<semaphore_mem>>
    %dma_start3A_32 = tpu.memref_squeeze %dma_start3A_31 : memref<1x!tpu.dma_semaphore, #tpu.memory_space<semaphore_mem>> -> memref<!tpu.dma_semaphore, #tpu.memory_space<semaphore_mem>>
    %dma_start3A_33 = arith.constant 0 : i32
    %dma_start3A_34 = tpu.memref_slice %arg3[%dma_start3A_33, %add3A_24] : memref<1000x16384xf32, #tpu.memory_space<hbm>> -> memref<200x128xf32, #tpu.memory_space<hbm>>
    %dma_start3A_35 = arith.constant 0 : i32
    %dma_start3A_36 = arith.constant 0 : i32
    %dma_start3A_37 = tpu.memref_slice %arg5[%dma_start3A_35, %dma_start3A_36] : memref<1000x128xf32, #tpu.memory_space<vmem>> -> memref<200x128xf32, #tpu.memory_space<vmem>>
    tpu.enqueue_dma source(%dma_start3A_37 : memref<200x128xf32, #tpu.memory_space<vmem>>) target(%dma_start3A_34 : memref<200x128xf32, #tpu.memory_space<hbm>>) target_semaphore(%dma_start3A_32 : memref<!tpu.dma_semaphore, #tpu.memory_space<semaphore_mem>>)
    %scan3A_38 = arith.constant 0 : i32
    %scan3A_39 = arith.constant 1 : i32
    %scan3A_40 = arith.constant 4 : i32
    %scan3A_41 = arith.addi %scan3A_39, %scan3A_40 : i32
    %scan3A_42 = arith.constant 1 : i32
    %scan3A_43 = scf.for %scan3A_59 = %scan3A_39 to %scan3A_41 step %scan3A_42 iter_args(%scan3A_60 = %scan3A_38) -> (i32)  : i32 {
      %mul3A_61 = arith.constant 200 : i32
      %mul3A_62 = arith.muli %scan3A_59, %mul3A_61 : i32
      %add3A_63 = arith.constant 1 : i32
      %add3A_64 = arith.addi %scan3A_59, %add3A_63 : i32
      %mul3A_65 = arith.constant 200 : i32
      %mul3A_66 = arith.muli %add3A_64, %mul3A_65 : i32
      %while3A = arith.constant 0 : i32
      %while3A_67 = arith.subi %mul3A_66, %mul3A_62 : i32
      %while3A_68 = arith.addi %mul3A_62, %while3A_67 : i32
      %while3A_69 = arith.constant 1 : i32
      %while3A_70 = arith.divsi %while3A_67, %while3A_69 : i32
      %while3A_71 = arith.muli %while3A_70, %while3A_69 : i32
      %while3A_72 = arith.addi %mul3A_62, %while3A_71 : i32
      %while3A_73 = arith.constant 1 : i32
      %while3A_74 = scf.for %while3A_99 = %mul3A_62 to %while3A_72 step %while3A_73 iter_args(%while3A_100 = %while3A) -> (i32)  : i32 {
        %swap3A = arith.index_cast %while3A_99 : i32 to index
        %swap3A_101 = arith.constant 0 : index
        %swap3A_102 = tpu.vector_load %arg5[%swap3A, %swap3A_101] {strides = array<i32>} : memref<1000x128xf32, #tpu.memory_space<vmem>>, vector<16xf32>,
        tpu.vector_store %arg5[%swap3A, %swap3A_101], %broadcast_in_dim3A_6 {strides = array<i32>} : memref<1000x128xf32, #tpu.memory_space<vmem>>, vector<16xf32>,
        %swap3A_103 = arith.index_cast %while3A_99 : i32 to index
        %swap3A_104 = arith.constant 16 : index
        %swap3A_105 = tpu.vector_load %arg5[%swap3A_103, %swap3A_104] {strides = array<i32>} : memref<1000x128xf32, #tpu.memory_space<vmem>>, vector<16xf32>,
        tpu.vector_store %arg5[%swap3A_103, %swap3A_104], %broadcast_in_dim3A_6 {strides = array<i32>} : memref<1000x128xf32, #tpu.memory_space<vmem>>, vector<16xf32>,
        %swap3A_106 = arith.index_cast %while3A_99 : i32 to index
        %swap3A_107 = arith.constant 32 : index
        %swap3A_108 = tpu.vector_load %arg5[%swap3A_106, %swap3A_107] {strides = array<i32>} : memref<1000x128xf32, #tpu.memory_space<vmem>>, vector<16xf32>,
        tpu.vector_store %arg5[%swap3A_106, %swap3A_107], %broadcast_in_dim3A_6 {strides = array<i32>} : memref<1000x128xf32, #tpu.memory_space<vmem>>, vector<16xf32>,
        %swap3A_109 = arith.index_cast %while3A_99 : i32 to index
        %swap3A_110 = arith.constant 48 : index
        %swap3A_111 = tpu.vector_load %arg5[%swap3A_109, %swap3A_110] {strides = array<i32>} : memref<1000x128xf32, #tpu.memory_space<vmem>>, vector<16xf32>,
        tpu.vector_store %arg5[%swap3A_109, %swap3A_110], %broadcast_in_dim3A_6 {strides = array<i32>} : memref<1000x128xf32, #tpu.memory_space<vmem>>, vector<16xf32>,
        %swap3A_112 = arith.index_cast %while3A_99 : i32 to index
        %swap3A_113 = arith.constant 64 : index
        %swap3A_114 = tpu.vector_load %arg5[%swap3A_112, %swap3A_113] {strides = array<i32>} : memref<1000x128xf32, #tpu.memory_space<vmem>>, vector<16xf32>,
        tpu.vector_store %arg5[%swap3A_112, %swap3A_113], %broadcast_in_dim3A_6 {strides = array<i32>} : memref<1000x128xf32, #tpu.memory_space<vmem>>, vector<16xf32>,
        %swap3A_115 = arith.index_cast %while3A_99 : i32 to index
        %swap3A_116 = arith.constant 80 : index
        %swap3A_117 = tpu.vector_load %arg5[%swap3A_115, %swap3A_116] {strides = array<i32>} : memref<1000x128xf32, #tpu.memory_space<vmem>>, vector<16xf32>,
        tpu.vector_store %arg5[%swap3A_115, %swap3A_116], %broadcast_in_dim3A_6 {strides = array<i32>} : memref<1000x128xf32, #tpu.memory_space<vmem>>, vector<16xf32>,
        %swap3A_118 = arith.index_cast %while3A_99 : i32 to index
        %swap3A_119 = arith.constant 96 : index
        %swap3A_120 = tpu.vector_load %arg5[%swap3A_118, %swap3A_119] {strides = array<i32>} : memref<1000x128xf32, #tpu.memory_space<vmem>>, vector<16xf32>,
        tpu.vector_store %arg5[%swap3A_118, %swap3A_119], %broadcast_in_dim3A_6 {strides = array<i32>} : memref<1000x128xf32, #tpu.memory_space<vmem>>, vector<16xf32>,
        %swap3A_121 = arith.index_cast %while3A_99 : i32 to index
        %swap3A_122 = arith.constant 112 : index
        %swap3A_123 = tpu.vector_load %arg5[%swap3A_121, %swap3A_122] {strides = array<i32>} : memref<1000x128xf32, #tpu.memory_space<vmem>>, vector<16xf32>,
        tpu.vector_store %arg5[%swap3A_121, %swap3A_122], %broadcast_in_dim3A_6 {strides = array<i32>} : memref<1000x128xf32, #tpu.memory_space<vmem>>, vector<16xf32>,
        %while3A_124 = arith.constant 0 : i32
        scf.yield %while3A_124 : i32
      }
      %while3A_75 = arith.constant 1 : i32
      %while3A_76 = scf.for %while3A_99 = %while3A_72 to %while3A_68 step %while3A_75 iter_args(%while3A_100 = %while3A_74) -> (i32)  : i32 {
        %swap3A = arith.index_cast %while3A_99 : i32 to index
        %swap3A_101 = arith.constant 0 : index
        %swap3A_102 = tpu.vector_load %arg5[%swap3A, %swap3A_101] {strides = array<i32>} : memref<1000x128xf32, #tpu.memory_space<vmem>>, vector<16xf32>,
        tpu.vector_store %arg5[%swap3A, %swap3A_101], %broadcast_in_dim3A_6 {strides = array<i32>} : memref<1000x128xf32, #tpu.memory_space<vmem>>, vector<16xf32>,
        %swap3A_103 = arith.index_cast %while3A_99 : i32 to index
        %swap3A_104 = arith.constant 16 : index
        %swap3A_105 = tpu.vector_load %arg5[%swap3A_103, %swap3A_104] {strides = array<i32>} : memref<1000x128xf32, #tpu.memory_space<vmem>>, vector<16xf32>,
        tpu.vector_store %arg5[%swap3A_103, %swap3A_104], %broadcast_in_dim3A_6 {strides = array<i32>} : memref<1000x128xf32, #tpu.memory_space<vmem>>, vector<16xf32>,
        %swap3A_106 = arith.index_cast %while3A_99 : i32 to index
        %swap3A_107 = arith.constant 32 : index
        %swap3A_108 = tpu.vector_load %arg5[%swap3A_106, %swap3A_107] {strides = array<i32>} : memref<1000x128xf32, #tpu.memory_space<vmem>>, vector<16xf32>,
        tpu.vector_store %arg5[%swap3A_106, %swap3A_107], %broadcast_in_dim3A_6 {strides = array<i32>} : memref<1000x128xf32, #tpu.memory_space<vmem>>, vector<16xf32>,
        %swap3A_109 = arith.index_cast %while3A_99 : i32 to index
        %swap3A_110 = arith.constant 48 : index
        %swap3A_111 = tpu.vector_load %arg5[%swap3A_109, %swap3A_110] {strides = array<i32>} : memref<1000x128xf32, #tpu.memory_space<vmem>>, vector<16xf32>,
        tpu.vector_store %arg5[%swap3A_109, %swap3A_110], %broadcast_in_dim3A_6 {strides = array<i32>} : memref<1000x128xf32, #tpu.memory_space<vmem>>, vector<16xf32>,
        %swap3A_112 = arith.index_cast %while3A_99 : i32 to index
        %swap3A_113 = arith.constant 64 : index
        %swap3A_114 = tpu.vector_load %arg5[%swap3A_112, %swap3A_113] {strides = array<i32>} : memref<1000x128xf32, #tpu.memory_space<vmem>>, vector<16xf32>,
        tpu.vector_store %arg5[%swap3A_112, %swap3A_113], %broadcast_in_dim3A_6 {strides = array<i32>} : memref<1000x128xf32, #tpu.memory_space<vmem>>, vector<16xf32>,
        %swap3A_115 = arith.index_cast %while3A_99 : i32 to index
        %swap3A_116 = arith.constant 80 : index
        %swap3A_117 = tpu.vector_load %arg5[%swap3A_115, %swap3A_116] {strides = array<i32>} : memref<1000x128xf32, #tpu.memory_space<vmem>>, vector<16xf32>,
        tpu.vector_store %arg5[%swap3A_115, %swap3A_116], %broadcast_in_dim3A_6 {strides = array<i32>} : memref<1000x128xf32, #tpu.memory_space<vmem>>, vector<16xf32>,
        %swap3A_118 = arith.index_cast %while3A_99 : i32 to index
        %swap3A_119 = arith.constant 96 : index
        %swap3A_120 = tpu.vector_load %arg5[%swap3A_118, %swap3A_119] {strides = array<i32>} : memref<1000x128xf32, #tpu.memory_space<vmem>>, vector<16xf32>,
        tpu.vector_store %arg5[%swap3A_118, %swap3A_119], %broadcast_in_dim3A_6 {strides = array<i32>} : memref<1000x128xf32, #tpu.memory_space<vmem>>, vector<16xf32>,
        %swap3A_121 = arith.index_cast %while3A_99 : i32 to index
        %swap3A_122 = arith.constant 112 : index
        %swap3A_123 = tpu.vector_load %arg5[%swap3A_121, %swap3A_122] {strides = array<i32>} : memref<1000x128xf32, #tpu.memory_space<vmem>>, vector<16xf32>,
        tpu.vector_store %arg5[%swap3A_121, %swap3A_122], %broadcast_in_dim3A_6 {strides = array<i32>} : memref<1000x128xf32, #tpu.memory_space<vmem>>, vector<16xf32>,
        %while3A_124 = arith.constant 0 : i32
        scf.yield %while3A_124 : i32
      }
      %mul3A_77 = arith.constant 200 : i32
      %mul3A_78 = arith.muli %scan3A_59, %mul3A_77 : i32
      %scan3A_79 = arith.constant 0 : i32
      %scan3A_80 = arith.constant 0 : i32
      %scan3A_81 = arith.constant 8 : i32
      %scan3A_82 = arith.addi %scan3A_80, %scan3A_81 : i32
      %scan3A_83 = arith.constant 1 : i32
      %scan3A_84 = scf.for %scan3A_99 = %scan3A_80 to %scan3A_82 step %scan3A_83 iter_args(%scan3A_100 = %scan3A_79) -> (i32)  : i32 {
        %mul3A_101 = arith.constant 16 : i32
        %mul3A_102 = arith.muli %scan3A_99, %mul3A_101 : i32
        %add3A_103 = arith.constant 0 : i32
        %add3A_104 = arith.addi %add3A_103, %mul3A_102 : i32
        %get3A = arith.index_cast %add3A_104 : i32 to index
        %get3A_105 = tpu.vector_load %arg4[%get3A] {strides = array<i32>} : memref<512xi32, #tpu.memory_space<vmem>>, vector<16xi32>,
        %ge3A = vector.broadcast %mul3A_78 : i32 to vector<16xi32>
        %ge3A_106 = arith.cmpi sge, %get3A_105, %ge3A : vector<16xi32>
        %add3A_107 = arith.constant 200 : i32
        %add3A_108 = arith.addi %mul3A_78, %add3A_107 : i32
        %lt3A = vector.broadcast %add3A_108 : i32 to vector<16xi32>
        %lt3A_109 = arith.cmpi slt, %get3A_105, %lt3A : vector<16xi32>
        %and3A = arith.andi %ge3A_106, %lt3A_109 : vector<16xi1>
        %mul3A_110 = arith.constant 16 : i32
        %mul3A_111 = arith.muli %scan3A_99, %mul3A_110 : i32
        %add3A_112 = vector.broadcast %mul3A_111 : i32 to vector<16xi32>
        %add3A_113 = arith.addi %iota3A, %add3A_112 : vector<16xi32>
        tpu.vector_store_idx %arg5[%get3A_105, %add3A_113], %broadcast_in_dim3A_8 masked %and3A : memref<1000x128xf32, #tpu.memory_space<vmem>>[vector<16xi32>, vector<16xi32>], vector<16xf32>, vector<16xi1>
        %scan3A_114 = arith.constant 0 : i32
        scf.yield %scan3A_114 : i32
      }
      %scan3A_85 = arith.constant 8 : i32
      %mul3A_86 = arith.constant 200 : i32
      %mul3A_87 = arith.muli %scan3A_59, %mul3A_86 : i32
      %add3A_88 = arith.constant 0 : i32
      %add3A_89 = arith.addi %mul3A_2, %add3A_88 : i32
      %dma_start3A_90 = arith.constant 0 : i32
      %dma_start3A_91 = tpu.memref_slice %arg5[%mul3A_87, %dma_start3A_90] : memref<1000x128xf32, #tpu.memory_space<vmem>> -> memref<200x128xf32, #tpu.memory_space<vmem>>
      %dma_start3A_92 = tpu.memref_slice %arg3[%mul3A_87, %add3A_89] : memref<1000x16384xf32, #tpu.memory_space<hbm>> -> memref<200x128xf32, #tpu.memory_space<hbm>>
      %dma_start3A_93 = tpu.memref_slice %arg6[%scan3A_59] : memref<5x!tpu.dma_semaphore, #tpu.memory_space<semaphore_mem>> -> memref<1x!tpu.dma_semaphore, #tpu.memory_space<semaphore_mem>>
      %dma_start3A_94 = tpu.memref_squeeze %dma_start3A_93 : memref<1x!tpu.dma_semaphore, #tpu.memory_space<semaphore_mem>> -> memref<!tpu.dma_semaphore, #tpu.memory_space<semaphore_mem>>
      %dma_start3A_95 = tpu.memref_slice %arg3[%mul3A_87, %add3A_89] : memref<1000x16384xf32, #tpu.memory_space<hbm>> -> memref<200x128xf32, #tpu.memory_space<hbm>>
      %dma_start3A_96 = arith.constant 0 : i32
      %dma_start3A_97 = tpu.memref_slice %arg5[%mul3A_87, %dma_start3A_96] : memref<1000x128xf32, #tpu.memory_space<vmem>> -> memref<200x128xf32, #tpu.memory_space<vmem>>
      tpu.enqueue_dma source(%dma_start3A_97 : memref<200x128xf32, #tpu.memory_space<vmem>>) target(%dma_start3A_95 : memref<200x128xf32, #tpu.memory_space<hbm>>) target_semaphore(%dma_start3A_94 : memref<!tpu.dma_semaphore, #tpu.memory_space<semaphore_mem>>)
      %scan3A_98 = arith.constant 0 : i32
      scf.yield %scan3A_98 : i32
    }
    %scan3A_44 = arith.constant 4 : i32
    %scan3A_45 = arith.constant 0 : i32
    %scan3A_46 = arith.constant 1 : i32
    %scan3A_47 = arith.constant 3 : i32
    %scan3A_48 = arith.addi %scan3A_46, %scan3A_47 : i32
    %scan3A_49 = arith.constant 1 : i32
    %scan3A_50 = scf.for %scan3A_59 = %scan3A_46 to %scan3A_48 step %scan3A_49 iter_args(%scan3A_60 = %scan3A_45) -> (i32)  : i32 {
      %scan3A_61 = arith.constant 0 : i32
      %scan3A_62 = arith.constant 0 : i32
      %scan3A_63 = arith.constant 5 : i32
      %scan3A_64 = arith.addi %scan3A_62, %scan3A_63 : i32
      %scan3A_65 = arith.constant 1 : i32
      %scan3A_66 = scf.for %scan3A_69 = %scan3A_62 to %scan3A_64 step %scan3A_65 iter_args(%scan3A_70 = %scan3A_61) -> (i32)  : i32 {
        %sub3A = arith.constant 1 : i32
        %sub3A_71 = arith.subi %scan3A_59, %sub3A : i32
        %mul3A_72 = arith.constant 200 : i32
        %mul3A_73 = arith.muli %scan3A_69, %mul3A_72 : i32
        %mul3A_74 = arith.constant 128 : i32
        %mul3A_75 = arith.muli %sub3A_71, %mul3A_74 : i32
        %add3A_76 = arith.addi %mul3A_2, %mul3A_75 : i32
        %dma_wait3A_77 = arith.constant 0 : i32
        %dma_wait3A_78 = tpu.memref_slice %arg5[%mul3A_73, %dma_wait3A_77] : memref<1000x128xf32, #tpu.memory_space<vmem>> -> memref<200x128xf32, #tpu.memory_space<vmem>>
        %dma_wait3A_79 = tpu.memref_slice %arg3[%mul3A_73, %add3A_76] : memref<1000x16384xf32, #tpu.memory_space<hbm>> -> memref<200x128xf32, #tpu.memory_space<hbm>>
        %dma_wait3A_80 = tpu.memref_slice %arg6[%scan3A_69] : memref<5x!tpu.dma_semaphore, #tpu.memory_space<semaphore_mem>> -> memref<1x!tpu.dma_semaphore, #tpu.memory_space<semaphore_mem>>
        %dma_wait3A_81 = tpu.memref_squeeze %dma_wait3A_80 : memref<1x!tpu.dma_semaphore, #tpu.memory_space<semaphore_mem>> -> memref<!tpu.dma_semaphore, #tpu.memory_space<semaphore_mem>>
        %dma_wait3A_82 = tpu.memref_slice %arg3[%mul3A_73, %add3A_76] : memref<1000x16384xf32, #tpu.memory_space<hbm>> -> memref<200x128xf32, #tpu.memory_space<hbm>>
        %dma_wait3A_83 = arith.constant 0 : i32
        %dma_wait3A_84 = tpu.memref_slice %arg5[%mul3A_73, %dma_wait3A_83] : memref<1000x128xf32, #tpu.memory_space<vmem>> -> memref<200x128xf32, #tpu.memory_space<vmem>>
        tpu.wait_dma2 semaphore(%dma_wait3A_81 : memref<!tpu.dma_semaphore, #tpu.memory_space<semaphore_mem>>) src(%dma_wait3A_84 : memref<200x128xf32, #tpu.memory_space<vmem>>) dst(%dma_wait3A_82 : memref<200x128xf32, #tpu.memory_space<hbm>>)
        %sub3A_85 = arith.constant 1 : i32
        %sub3A_86 = arith.subi %scan3A_59, %sub3A_85 : i32
        %mul3A_87 = arith.constant 200 : i32
        %mul3A_88 = arith.muli %scan3A_69, %mul3A_87 : i32
        %scan3A_89 = arith.constant 0 : i32
        %scan3A_90 = arith.constant 0 : i32
        %scan3A_91 = arith.constant 8 : i32
        %scan3A_92 = arith.addi %scan3A_90, %scan3A_91 : i32
        %scan3A_93 = arith.constant 1 : i32
        %scan3A_94 = scf.for %scan3A_119 = %scan3A_90 to %scan3A_92 step %scan3A_93 iter_args(%scan3A_120 = %scan3A_89) -> (i32)  : i32 {
          %mul3A_121 = arith.constant 128 : i32
          %mul3A_122 = arith.muli %sub3A_86, %mul3A_121 : i32
          %mul3A_123 = arith.constant 16 : i32
          %mul3A_124 = arith.muli %scan3A_119, %mul3A_123 : i32
          %add3A_125 = arith.addi %mul3A_122, %mul3A_124 : i32
          %get3A = arith.index_cast %add3A_125 : i32 to index
          %get3A_126 = tpu.vector_load %arg4[%get3A] {strides = array<i32>} : memref<512xi32, #tpu.memory_space<vmem>>, vector<16xi32>,
          %ge3A = vector.broadcast %mul3A_88 : i32 to vector<16xi32>
          %ge3A_127 = arith.cmpi sge, %get3A_126, %ge3A : vector<16xi32>
          %add3A_128 = arith.constant 200 : i32
          %add3A_129 = arith.addi %mul3A_88, %add3A_128 : i32
          %lt3A = vector.broadcast %add3A_129 : i32 to vector<16xi32>
          %lt3A_130 = arith.cmpi slt, %get3A_126, %lt3A : vector<16xi32>
          %and3A = arith.andi %ge3A_127, %lt3A_130 : vector<16xi1>
          %mul3A_131 = arith.constant 16 : i32
          %mul3A_132 = arith.muli %scan3A_119, %mul3A_131 : i32
          %add3A_133 = vector.broadcast %mul3A_132 : i32 to vector<16xi32>
          %add3A_134 = arith.addi %iota3A, %add3A_133 : vector<16xi32>
          tpu.vector_store_idx %arg5[%get3A_126, %add3A_134], %broadcast_in_dim3A_6 masked %and3A : memref<1000x128xf32, #tpu.memory_space<vmem>>[vector<16xi32>, vector<16xi32>], vector<16xf32>, vector<16xi1>
          %scan3A_135 = arith.constant 0 : i32
          scf.yield %scan3A_135 : i32
        }
        %scan3A_95 = arith.constant 8 : i32
        %mul3A_96 = arith.constant 200 : i32
        %mul3A_97 = arith.muli %scan3A_69, %mul3A_96 : i32
        %scan3A_98 = arith.constant 0 : i32
        %scan3A_99 = arith.constant 0 : i32
        %scan3A_100 = arith.constant 8 : i32
        %scan3A_101 = arith.addi %scan3A_99, %scan3A_100 : i32
        %scan3A_102 = arith.constant 1 : i32
        %scan3A_103 = scf.for %scan3A_119 = %scan3A_99 to %scan3A_101 step %scan3A_102 iter_args(%scan3A_120 = %scan3A_98) -> (i32)  : i32 {
          %mul3A_121 = arith.constant 128 : i32
          %mul3A_122 = arith.muli %scan3A_59, %mul3A_121 : i32
          %mul3A_123 = arith.constant 16 : i32
          %mul3A_124 = arith.muli %scan3A_119, %mul3A_123 : i32
          %add3A_125 = arith.addi %mul3A_122, %mul3A_124 : i32
          %get3A = arith.index_cast %add3A_125 : i32 to index
          %get3A_126 = tpu.vector_load %arg4[%get3A] {strides = array<i32>} : memref<512xi32, #tpu.memory_space<vmem>>, vector<16xi32>,
          %ge3A = vector.broadcast %mul3A_97 : i32 to vector<16xi32>
          %ge3A_127 = arith.cmpi sge, %get3A_126, %ge3A : vector<16xi32>
          %add3A_128 = arith.constant 200 : i32
          %add3A_129 = arith.addi %mul3A_97, %add3A_128 : i32
          %lt3A = vector.broadcast %add3A_129 : i32 to vector<16xi32>
          %lt3A_130 = arith.cmpi slt, %get3A_126, %lt3A : vector<16xi32>
          %and3A = arith.andi %ge3A_127, %lt3A_130 : vector<16xi1>
          %mul3A_131 = arith.constant 16 : i32
          %mul3A_132 = arith.muli %scan3A_119, %mul3A_131 : i32
          %add3A_133 = vector.broadcast %mul3A_132 : i32 to vector<16xi32>
          %add3A_134 = arith.addi %iota3A, %add3A_133 : vector<16xi32>
          tpu.vector_store_idx %arg5[%get3A_126, %add3A_134], %broadcast_in_dim3A_8 masked %and3A : memref<1000x128xf32, #tpu.memory_space<vmem>>[vector<16xi32>, vector<16xi32>], vector<16xf32>, vector<16xi1>
          %scan3A_135 = arith.constant 0 : i32
          scf.yield %scan3A_135 : i32
        }
        %scan3A_104 = arith.constant 8 : i32
        %mul3A_105 = arith.constant 200 : i32
        %mul3A_106 = arith.muli %scan3A_69, %mul3A_105 : i32
        %mul3A_107 = arith.constant 128 : i32
        %mul3A_108 = arith.muli %scan3A_59, %mul3A_107 : i32
        %add3A_109 = arith.addi %mul3A_2, %mul3A_108 : i32
        %dma_start3A_110 = arith.constant 0 : i32
        %dma_start3A_111 = tpu.memref_slice %arg5[%mul3A_106, %dma_start3A_110] : memref<1000x128xf32, #tpu.memory_space<vmem>> -> memref<200x128xf32, #tpu.memory_space<vmem>>
        %dma_start3A_112 = tpu.memref_slice %arg3[%mul3A_106, %add3A_109] : memref<1000x16384xf32, #tpu.memory_space<hbm>> -> memref<200x128xf32, #tpu.memory_space<hbm>>
        %dma_start3A_113 = tpu.memref_slice %arg6[%scan3A_69] : memref<5x!tpu.dma_semaphore, #tpu.memory_space<semaphore_mem>> -> memref<1x!tpu.dma_semaphore, #tpu.memory_space<semaphore_mem>>
        %dma_start3A_114 = tpu.memref_squeeze %dma_start3A_113 : memref<1x!tpu.dma_semaphore, #tpu.memory_space<semaphore_mem>> -> memref<!tpu.dma_semaphore, #tpu.memory_space<semaphore_mem>>
        %dma_start3A_115 = tpu.memref_slice %arg3[%mul3A_106, %add3A_109] : memref<1000x16384xf32, #tpu.memory_space<hbm>> -> memref<200x128xf32, #tpu.memory_space<hbm>>
        %dma_start3A_116 = arith.constant 0 : i32
        %dma_start3A_117 = tpu.memref_slice %arg5[%mul3A_106, %dma_start3A_116] : memref<1000x128xf32, #tpu.memory_space<vmem>> -> memref<200x128xf32, #tpu.memory_space<vmem>>
        tpu.enqueue_dma source(%dma_start3A_117 : memref<200x128xf32, #tpu.memory_space<vmem>>) target(%dma_start3A_115 : memref<200x128xf32, #tpu.memory_space<hbm>>) target_semaphore(%dma_start3A_114 : memref<!tpu.dma_semaphore, #tpu.memory_space<semaphore_mem>>)
        %scan3A_118 = arith.constant 0 : i32
        scf.yield %scan3A_118 : i32
      }
      %scan3A_67 = arith.constant 5 : i32
      %scan3A_68 = arith.constant 0 : i32
      scf.yield %scan3A_68 : i32
    }
    %scan3A_51 = arith.constant 3 : i32
    %scan3A_52 = arith.constant 0 : i32
    %scan3A_53 = arith.constant 0 : i32
    %scan3A_54 = arith.constant 5 : i32
    %scan3A_55 = arith.addi %scan3A_53, %scan3A_54 : i32
    %scan3A_56 = arith.constant 1 : i32
    %scan3A_57 = scf.for %scan3A_59 = %scan3A_53 to %scan3A_55 step %scan3A_56 iter_args(%scan3A_60 = %scan3A_52) -> (i32)  : i32 {
      %mul3A_61 = arith.constant 200 : i32
      %mul3A_62 = arith.muli %scan3A_59, %mul3A_61 : i32
      %add3A_63 = arith.constant 384 : i32
      %add3A_64 = arith.addi %mul3A_2, %add3A_63 : i32
      %dma_wait3A_65 = arith.constant 0 : i32
      %dma_wait3A_66 = tpu.memref_slice %arg5[%mul3A_62, %dma_wait3A_65] : memref<1000x128xf32, #tpu.memory_space<vmem>> -> memref<200x128xf32, #tpu.memory_space<vmem>>
      %dma_wait3A_67 = tpu.memref_slice %arg3[%mul3A_62, %add3A_64] : memref<1000x16384xf32, #tpu.memory_space<hbm>> -> memref<200x128xf32, #tpu.memory_space<hbm>>
      %dma_wait3A_68 = tpu.memref_slice %arg6[%scan3A_59] : memref<5x!tpu.dma_semaphore, #tpu.memory_space<semaphore_mem>> -> memref<1x!tpu.dma_semaphore, #tpu.memory_space<semaphore_mem>>
      %dma_wait3A_69 = tpu.memref_squeeze %dma_wait3A_68 : memref<1x!tpu.dma_semaphore, #tpu.memory_space<semaphore_mem>> -> memref<!tpu.dma_semaphore, #tpu.memory_space<semaphore_mem>>
      %dma_wait3A_70 = tpu.memref_slice %arg3[%mul3A_62, %add3A_64] : memref<1000x16384xf32, #tpu.memory_space<hbm>> -> memref<200x128xf32, #tpu.memory_space<hbm>>
      %dma_wait3A_71 = arith.constant 0 : i32
      %dma_wait3A_72 = tpu.memref_slice %arg5[%mul3A_62, %dma_wait3A_71] : memref<1000x128xf32, #tpu.memory_space<vmem>> -> memref<200x128xf32, #tpu.memory_space<vmem>>
      tpu.wait_dma2 semaphore(%dma_wait3A_69 : memref<!tpu.dma_semaphore, #tpu.memory_space<semaphore_mem>>) src(%dma_wait3A_72 : memref<200x128xf32, #tpu.memory_space<vmem>>) dst(%dma_wait3A_70 : memref<200x128xf32, #tpu.memory_space<hbm>>)
      %scan3A_73 = arith.constant 0 : i32
      scf.yield %scan3A_73 : i32
    }
    %scan3A_58 = arith.constant 5 : i32
    return
  }
}

</mosaic_0001>

<sc_bundles>
// kernel: kernel.3.cloned.1.call-start
scs
__scs_entry_jumppad:
0x0: {  	(pc) =	sbr.rel $0x88, $3  }
0x1: {  	(tag) =	ssettag $0x0;
	lr =	simm.s32 $0x1  }
0x2: {  	[smem:$0x3FA0] =	sst lr;
	_ =	strace $0xD0000000  }
0x3: {  	_ = 	snop  }
0x4: {  	_ = 	snop  }
0x5: {  	_ = 	snop  }
0x6: {  	_ = 	snop  }
0x7: {  	_ = 	snop  }
__scs_overlays_trampoline_lowered:
0x8: {  	[smem:$0x3FAF] =	sst s0  }
0x9: {  	[smem:$0x3FB0] =	sst s1  }
0xa: {  	[smem:$0x3FB1] =	sst s2  }
0xb: {  	[smem:$0x3FB2] =	sst s3  }
0xc: {  	[smem:$0x3FB3] =	sst s4  }
0xd: {  	[smem:$0x3FB4] =	sst s5  }
0xe: {  	[smem:$0x3FB5] =	sst s6  }
0xf: {  	[smem:$0x3FB6] =	sst s7  }
0x10: {  	[smem:$0x3FB7] =	sst s8  }
0x11: {  	[smem:$0x3FB8] =	sst s9;
	s0 =	simm.s32 @!p0 $0x0  }
0x12: {  	s1 =	sld [smem:$0x3F9E];
	s0 =	simm.s32 @p0 $0x1  }
0x13: {  	[smem:$0x3FB9] =	sst s0;
	s0 =	simm.s32 @!p1 $0x0  }
0x14: {  	s2 =	sld [smem:$0x3F9D];
	s0 =	simm.s32 @p1 $0x1  }
0x15: {  	[smem:$0x3FBA] =	sst s0;
	s0 =	simm.s32 @!p2 $0x0  }
0x16: {  	s3 =	sld [smem:$0x3FDB];
	s0 =	simm.s32 @p2 $0x1  }
0x17: {  	s4 =	simm.s32 $0x1BF5;
	[smem:$0x3FBC] =	sst s0  }
0x18: {  	s0 =	sld [smem:$0x3F9F];
	_ =	swait.ge [sflag:s4], $0x0  }
0x19: {  	s7 =	sld [smem:$0x3FA0]  }
0x1a: {  	s8 =	sadd.s32 $0xFFFFE003, lr  }
0x1b: {  	s9 =	sadd.s32 $0xFFFFFEF7, lr;
	s5 =	simm.s32 $0xFFFFFFFF;
	p2 =	slt.u32 s8, $0xFFFFF086  }
0x1c: {  	p1 =	slt.u32 s9, $0xF7A;
	s5 =	simm.s32 @!p2 $0x0  }
0x1d: {  	s5 =	simm.s32 @p1 $0x1;
	p0 =	seq.s32 s7, s2  }
0x1e: {  	s7 =	smul.u32 @!p0 $0xF7A, s2;
	p2 =	seq.s32 @!p0 s5, $0x0  }
0x1f: {  	s9 =	smul.u32 $0xF7A, s1;
	s8 =	simm.s32 @!p0 $0x1BF5;
	p2 =	por !p2, p0  }
0x20: {  	[sflag:s8] =	ssyncset.s32 @!p0 $0xFFFFF086;
	s6 =	sadd.s32 @!p0 s3, s7;
	s7 =	simm.s32 @!p0 $0x108  }
0x21: {  	s3 =	sadd.s32 s3, s9;
	s6 =	sadd.s32 @!p0 $0x88, s6;
	s7 =	simm.s32 @p2 $0x1082  }
0x22: {  	[simem:s7], [sflag:s8] =	dma.local @!p0 [hbm:s6], $0xF7A  }
0x23: {  	s9 =	sor.u32 $0xD0000000, s2;
	s6 =	simm.s32 $0x108;
	_ =	swait.ge @!p0 [sflag:s8], $0x0  }
0x24: {  	s3 =	sadd.s32 $0x88, s3;
	s6 =	simm.s32 @!p1 $0x1082;
	[sflag:s4] =	ssyncset.s32 $0xFFFFF086  }
0x25: {  	[simem:s6], [sflag:s4] =	dma.local [hbm:s3], $0xF7A  }
0x26: {  	[smem:$0x3FA0] =	sst s1;
	(tag) =	ssettag s2;
	_ =	strace s9  }
0x27: {  	s1 =	sld [smem:$0x3FB0]  }
0x28: {  	s2 =	sld [smem:$0x3FB1]  }
0x29: {  	s4 =	sld [smem:$0x3FB3]  }
0x2a: {  	p0 =	seq.s32 s5, $0x0;
	s5 =	sld [smem:$0x3FB4]  }
0x2b: {  	s6 =	sld [smem:$0x3FB5]  }
0x2c: {  	s7 =	sld [smem:$0x3FB6]  }
0x2d: {  	s3 =	simm.s32 $0x108;
	s8 =	sld [smem:$0x3FB7]  }
0x2e: {  	s3 =	simm.s32 @!p0 $0x1082;
	s9 =	sld [smem:$0x3FB8]  }
0x2f: {  	lr =	sadd.s32 s0, s3;
	s0 =	sld [smem:$0x3FAF]  }
0x30: {  	s3 =	sld [smem:$0x3FB2]  }
0x31: {  	[smem:$0x3FBB] =	sst s10  }
0x32: {  	s10 =	sld [smem:$0x3FB9];
	_ =	sdelay $0x3  }
0x33: {  	p0 =	seq.s32 s10, $0x1;
	s10 =	sld [smem:$0x3FBB];
	_ =	sdelay $0x3  }
0x34: {  	[smem:$0x3FBB] =	sst s10  }
0x35: {  	s10 =	sld [smem:$0x3FBA];
	_ =	sdelay $0x3  }
0x36: {  	p1 =	seq.s32 s10, $0x1;
	s10 =	sld [smem:$0x3FBB];
	_ =	sdelay $0x3  }
0x37: {  	[smem:$0x3FBB] =	sst s10  }
0x38: {  	s10 =	sld [smem:$0x3FBC]  }
0x39: {  	_ = 	snop;
	(pc) =	sbr.ind lr, $3  }
0x3a: {  	_ = 	snop  }
0x3b: {  	_ = 	snop  }
0x3c: {  	p2 =	seq.s32 s10, $0x1;
	s10 =	sld [smem:$0x3FBB]  }
0x3d: {  	_ =	shalt  }
0x3e: {  	_ =	shalt  }
0x3f: {  	_ =	shalt  }
0x40: {  	_ =	shalt  }
0x41: {  	_ =	shalt  }
0x42: {  	_ =	shalt  }
0x43: {  	_ =	shalt  }
0x44: {  	_ =	shalt  }
0x45: {  	_ =	shalt  }
0x46: {  	_ =	shalt  }
0x47: {  	_ =	shalt  }
0x48: {  	_ =	shalt  }
0x49: {  	_ =	shalt  }
0x4a: {  	_ =	shalt  }
0x4b: {  	_ =	shalt  }
0x4c: {  	_ =	shalt  }
0x4d: {  	_ =	shalt  }
0x4e: {  	_ =	shalt  }
0x4f: {  	_ =	shalt  }
0x50: {  	_ =	shalt  }
0x51: {  	_ =	shalt  }
0x52: {  	_ =	shalt  }
0x53: {  	_ =	shalt  }
0x54: {  	_ =	shalt  }
0x55: {  	_ =	shalt  }
0x56: {  	_ =	shalt  }
0x57: {  	_ =	shalt  }
0x58: {  	_ =	shalt  }
0x59: {  	_ =	shalt  }
0x5a: {  	_ =	shalt  }
0x5b: {  	_ =	shalt  }
0x5c: {  	_ =	shalt  }
0x5d: {  	_ =	shalt  }
0x5e: {  	_ =	shalt  }
0x5f: {  	_ =	shalt  }
0x60: {  	_ =	shalt  }
0x61: {  	_ =	shalt  }
0x62: {  	_ =	shalt  }
0x63: {  	_ =	shalt  }
0x64: {  	_ =	shalt  }
0x65: {  	_ =	shalt  }
0x66: {  	_ =	shalt  }
0x67: {  	_ =	shalt  }
0x68: {  	_ =	shalt  }
0x69: {  	_ =	shalt  }
0x6a: {  	_ =	shalt  }
0x6b: {  	_ =	shalt  }
0x6c: {  	_ =	shalt  }
0x6d: {  	_ =	shalt  }
0x6e: {  	_ =	shalt  }
0x6f: {  	_ =	shalt  }
0x70: {  	_ =	shalt  }
0x71: {  	_ =	shalt  }
0x72: {  	_ =	shalt  }
0x73: {  	_ =	shalt  }
0x74: {  	_ =	shalt  }
0x75: {  	_ =	shalt  }
0x76: {  	_ =	shalt  }
0x77: {  	_ =	shalt  }
0x78: {  	_ =	shalt  }
0x79: {  	_ =	shalt  }
0x7a: {  	_ =	shalt  }
0x7b: {  	_ =	shalt  }
0x7c: {  	_ =	shalt  }
0x7d: {  	_ =	shalt  }
0x7e: {  	_ =	shalt  }
0x7f: {  	_ =	shalt  }
0x80: {  	_ =	shalt  }
0x81: {  	_ =	shalt  }
0x82: {  	_ =	shalt  }
0x83: {  	_ =	shalt  }
0x84: {  	_ =	shalt  }
0x85: {  	_ =	shalt  }
0x86: {  	_ =	shalt  }
0x87: {  	_ =	shalt  }
.Lfunc_end0:
.L_simem_size_0:
called_computation_lowered:
.L_overlay_start_0:
0x88: {  	s2 =	sld [smem:$0x3FD9]  }
0x89: {  	s3 =	sld [smem:$0x3FFE];
	_ =	sdelay $0x1  }
0x8a: {  	s1 =	srdreg.scid  }
0x8b: {  	s0 =	sand.u32 $0x1, s1  }
0x8c: {  	s18 =	sshll.u32 s0, $0xA;
	s2 =	sadd.s32 s3, s2  }
0x8d: {  	s2 =	sadd.s32 s2, s18  }
0x8e: {  	[smem:$0x3FC7] =	sst s2  }
0x8f: {  	_ = 	snop  }
0x90: {  	s2 =	sld [smem:$0x3FC9]  }
0x91: {  	s19 =	sld [smem:$0x3FD0];
	(tm) =	ssettm $0x1  }
0x92: {  	s4 =	sld [smem:$0x3FFB];
	_ =	sdelay $0x3  }
0x93: {  	_ =	strace s4  }
0x94: {  	s4 =	sld [smem:$0x3FFC];
	_ =	sdelay $0x3  }
0x95: {  	_ =	strace s4  }
0x96: {  	s4 =	sld [smem:$0x3FFD];
	_ =	sdelay $0x3  }
0x97: {  	_ =	strace s4  }
0x98: {  	_ =	strace $0x8FFFFFFF  }
0x99: {  	s20 =	sld [smem:$0x3FDB];
	_ =	sdelay $0x1  }
0x9a: {  	s5 =	simm.s32 $_scs_section_size  }
0x9b: {  	s6 =	simm.s32 $_size__tile_overlayer_lowered;
	s7 =	simm.s32 $_tile_overlayer_lowered  }
0x9c: {  	s23 =	simm.s32 $0x1BFF;
	s22 =	sshll.u32 s7, $0x1;
	s4 =	sadd.s32 s5, s20  }
0x9d: {  	s8 =	simm.s32 $0x0;
	s21 =	sshll.u32 s6, $0x1;
	s6 =	sadd.s32 s22, s4  }
0x9e: {  	[timem:s8], [sflag:s23] =	dma.local [hbm:s6], s21  }
0x9f: {  	_ =	swait.ge [sflag:s23], s21  }
0xa0: {  	s5 =	ssub.s32 $0x0, s21;
	[sflag:s23] =	ssyncset.done $0x0  }
0xa1: {  	[sflag:s23] =	ssyncadd.s32 s5;
	_ =	sdelay $0x1  }
0xa2: {  	s24 =	simm.s32 $0x1B8B  }
0xa3: {  	_ =	swait.ge [sflag:s24], $0x1  }
0xa4: {  	[sflag:s24] =	ssyncset.done $0x0  }
0xa5: {  	s25 =	simm.s32 $0x1B8E;
	[sflag:s24] =	ssyncadd.s32 $0xFFFFFFFF  }
0xa6: {  	s26 =	simm.s32 $execute0_lowered;
	[smem:$0x3FD2] =	sst s25  }
0xa7: {  	s5 =	sshll.u32 s26, $0x1;
	_ =	strace $0x80000046;
	[dreg:$0x1] =	wrdreg $0xFFFFFFFF  }
0xa8: {  	s28 =	simm.s32 $_size_execute0_lowered;
	s4 =	sadd.s32 s4, s5;
	[dreg:$0x0] =	wrdreg $0x0  }
0xa9: {  	s5 =	sshll.u32 s28, $0x1;
	[dreg:$0x2] =	wrdreg s4  }
0xaa: {  	[dreg:$0x3] =	wrdreg s5  }
0xab: {  	[dreg:$0x4] =	wrdreg $0xC0  }
0xac: {  	_ =	task [dreg:s8], $0x5FFFF  }
0xad: {  	[dreg:$0x1] =	wrdreg $0xFFFFFFFF  }
0xae: {  	[dreg:$0x0] =	wrdreg $0x60  }
0xaf: {  	[dreg:$0x2] =	wrdreg s2  }
0xb0: {  	[dreg:$0x3] =	wrdreg s19  }
0xb1: {  	[dreg:$0x4] =	wrdreg $0x9  }
0xb2: {  	_ =	task.clear_ibuf [dreg:s8], $0x5FFFF;
	_ =	strace $0x90000046  }
0xb3: {  	s29 =	simm.s32 $0x9;
	_ =	strace $0x80000048  }
0xb4: {  	_ =	swait.ge [sflag:s29], $0x1  }
0xb5: {  	[sflag:s29] =	ssyncadd.s32 $0xFFFFFFFF  }
0xb6: {  	_ =	strace $0x90000048  }
0xb7: {  	_ =	sfence  }
0xb8: {  	s30 =	sld [smem:$0x0];
	_ =	sdelay $0x2  }
0xb9: {  	s31 =	sshll.u32 s1, $0xD;
	s1 =	sshrl.u32 s1, $0x2  }
0xba: {  	s3 =	sand.u32 $0x4000, s31;
	s1 =	sadd.s32 s1, s30  }
0xbb: {  	s0 =	sor.u32 s3, s0;
	s1 =	sshll.u32 s1, $0x11  }
0xbc: {  	s0 =	sor.u32 s1, s0  }
0xbd: {  	s0 =	sadd.s32 $0x8F2B, s0  }
0xbe: {  	[sflag:s0] =	ssyncadd.remote.s32 $0x1  }
0xbf: {  	_ =	sfence.sel $0xFFFF  }
0xc0: {  	[dreg:$0x0] =	wrdreg $0xFFFFFFFF;
	(pc) =	sbr.abs _section_cstart, $3  }
0xc1: {  	[dreg:$0x1] =	wrdreg $0xFFFFFFFF  }
0xc2: {  	_ =	task.clear_ibuf [dreg:s8], $0x2FFFF;
	_ =	strace $0x9FFFFFFF  }
0xc3: {  	(tm) =	ssettm $0x7FFFFFFF  }
tec
execute0_lowered:
.L_overlay_start_1:
0x0: {  	(tag) =	ssettag $0x1  }
0x1: {  	s4 =	rddreg [dreg:$0x0]  }
0x2: {  	s2 =	rddreg [dreg:$0x1];
	s3 =	srdreg.scid  }
0x3: {  	s0 =	rddreg [dreg:$0x2];
	s1 =	stileid.u32;
	s9 =	simm.s32 $0x200  }
0x4: {  	s10 =	simm.s32 $0x400;
	s11 =	simm.s32 $0x20000;
	s12 =	simm.s32 $0x1  }
0x5: {  	s13 =	simm.s32 $0x2;
	s14 =	simm.s32 $0x3;
	s15 =	simm.s32 $0x4  }
0x6: {  	s16 =	simm.s32 $0x5;
	s17 =	simm.s32 $0x0;
	s5 =	sand.u32 $0x1, s3  }
0x7: {  	s3 =	simm.s32 $0x0;
	s7 =	sshll.u32 s1, $0x9;
	s6 =	sshll.u32 s5, $0xD  }
0x8: {  	[smem:$0x7FF] =	sst s3;
	s5 =	ssub.s32 $0x2, s5;
	s6 =	sor.u32 s7, s6  }
0x9: {  	_ =	strace $0x80000047;
	s31 =	sshrl.u32 s5, $0x1;
	s8 =	sshrl.u32 s6, $0x3  }
0xa: {  	s7 =	ssub.s32 s5, s31;
	s5 =	sadd.s32 s2, s6;
	s6 =	sshrl.u32 s6, $0x7  }
0xb: {  	v0 =	vimm.f32 $0.0e+00;
	v1 =	vlaneseq.u32;
	v2 =	vimm.f32 $1.000000000e+00;
	s4 =	sadd.s32 s4, s8;
	s7 =	smax.u32 s7, $0x1;
	s8 =	simm.s32 $0x6  }
.LBB2_1:
0xc: {  	[tilespmem:s3], [sflag:$0x6] =	stream.linear.gather [hbm4b:s4+s3], $0x200, $0x38;
	[tilespmem:$0x1F600] =	vst v63  }
0xd: {  	s18 =	simm.s32 $0x0;
	s19 =	simm.s32 $0x200  }
.LBB2_2:
0xe: {  	p0 =	sne.s32 s19, $0x18E00;
	[tilespmem:s18+$0x270] =	vst v0  }
0xf: {  	[tilespmem:s18+$0x200] =	vst v0  }
0x10: {  	[tilespmem:s18+$0x210] =	vst v0  }
.Ltmp0:
0x11: {  	[tilespmem:s18+$0x220] =	vst v0;
	(pc) =	sbr.rel @p0 .LBB2_2-.Ltmp0, $4  }
0x12: {  	[tilespmem:s18+$0x230] =	vst v0  }
0x13: {  	[tilespmem:s18+$0x240] =	vst v0  }
0x14: {  	[tilespmem:s18+$0x250] =	vst v0  }
0x15: {  	[tilespmem:s18+$0x260] =	vst v0;
	s18 =	sshra.s32 s19, $0x2;
	s19 =	sadd.s32 $0x200, s19  }
0x16: {  	[tilespmem:s18+$0x270] =	vst v0  }
0x17: {  	[tilespmem:s18+$0x200] =	vst v0  }
0x18: {  	[tilespmem:s18+$0x210] =	vst v0  }
0x19: {  	[tilespmem:s18+$0x220] =	vst v0  }
0x1a: {  	[tilespmem:s18+$0x230] =	vst v0  }
0x1b: {  	[tilespmem:s18+$0x240] =	vst v0  }
0x1c: {  	[tilespmem:s18+$0x250] =	vst v0  }
0x1d: {  	[tilespmem:s18+$0x260] =	vst v0  }
0x1e: {  	_ =	swait.ge [sflag:s8], $0x200  }
0x1f: {  	[sflag:s8] =	ssyncset.done $0x0  }
0x20: {  	s18 =	simm.s32 $0x0;
	[sflag:s8] =	ssyncadd.s32 $0xFFFFFE00  }
0x21: {  	s19 =	simm.s32 $0x10;
	s20 =	simm.s32 $0x0;
	v3 =	vld [tilespmem:s18+$0x0]  }
.LBB2_4:
0x22: {  	p0 =	sne.s32 s19, $0x70;
	_ =	sdelay $0x3  }
0x23: {  	v4 =	vshll.u32 v3, $0x7  }
0x24: {  	vm0 =	vlt.u32 v3, $0xC8;
	v3 =	vadd.s32 s18, v4;
	s18 =	smov.u32 s19  }
0x25: {  	v3 =	vadd.s32 v1, v3;
	_ =	sdelay $0x1  }
.Ltmp1:
0x26: {  	(pc) =	sbr.rel @p0 .LBB2_4-.Ltmp1, $3  }
0x27: {  	_ =	sdelay $0x1  }
0x28: {  	s20 =	sadd.s32 $0x10, s20;
	[tilespmem:v3+s9+$0x0] =	vst.idx.msk vm0, v2  }
0x29: {  	s19 =	sadd.s32 $0x10, s19;
	v3 =	vld [tilespmem:s20+$0x0]  }
0x2a: {  	_ =	sdelay $0x3  }
0x2b: {  	v4 =	vshll.u32 v3, $0x7  }
0x2c: {  	vm0 =	vlt.u32 v3, $0xC8;
	v3 =	vadd.s32 s18, v4  }
0x2d: {  	v3 =	vadd.s32 v1, v3;
	_ =	sdelay $0x4  }
0x2e: {  	s20 =	simm.s32 $0x1;
	s18 =	simm.s32 $0x200;
	[tilespmem:v3+s9+$0x0] =	vst.idx.msk vm0, v2  }
0x2f: {  	[hbm4b:s5+s10] =	stream.strided.scatter [tilespmem:s18], [sflag:$0x1], $0x6400, s11, s10, $0x38;
	[tilespmem:$0x1F600] =	vst v63  }
.LBB2_6:
0x30: {  	v3 =	vmov s18;
	_ =	sdelay $0x3  }
0x31: {  	s22 =	simm.s32 $0x0  }
0x32: {  	[tilespmem:v3+s22+$0x6400 ss:$0x1] =	vst.idx.msk $0xffff, v0  }
0x33: {  	[tilespmem:v3+s22+$0x6410 ss:$0x1] =	vst.idx.msk $0xffff, v0  }
0x34: {  	[tilespmem:v3+s22+$0x6420 ss:$0x1] =	vst.idx.msk $0xffff, v0  }
0x35: {  	[tilespmem:v3+s22+$0x6430 ss:$0x1] =	vst.idx.msk $0xffff, v0  }
0x36: {  	[tilespmem:v3+s22+$0x6440 ss:$0x1] =	vst.idx.msk $0xffff, v0  }
0x37: {  	[tilespmem:v3+s22+$0x6450 ss:$0x1] =	vst.idx.msk $0xffff, v0  }
0x38: {  	s21 =	smul.u32 $0xC8, s20;
	s19 =	sadd.s32 $0x1, s20;
	s23 =	simm.s32 $0x200;
	[tilespmem:v3+s22+$0x6460 ss:$0x1] =	vst.idx.msk $0xffff, v0  }
.LBB2_7:
0x39: {  	p0 =	seq.s32 s23, $0x18E00;
	[tilespmem:v3+s22+$0x6470 ss:$0x1] =	vst.idx.msk $0xffff, v0;
	s22 =	sshra.s32 s23, $0x2;
	s23 =	sadd.s32 $0x200, s23  }
0x3a: {  	[tilespmem:v3+s22+$0x6400 ss:$0x1] =	vst.idx.msk $0xffff, v0  }
0x3b: {  	[tilespmem:v3+s22+$0x6410 ss:$0x1] =	vst.idx.msk $0xffff, v0  }
.Ltmp2:
0x3c: {  	[tilespmem:v3+s22+$0x6420 ss:$0x1] =	vst.idx.msk $0xffff, v0;
	(pc) =	sbr.rel @!p0 .LBB2_7-.Ltmp2, $4  }
0x3d: {  	[tilespmem:v3+s22+$0x6430 ss:$0x1] =	vst.idx.msk $0xffff, v0  }
0x3e: {  	[tilespmem:v3+s22+$0x6440 ss:$0x1] =	vst.idx.msk $0xffff, v0  }
0x3f: {  	[tilespmem:v3+s22+$0x6450 ss:$0x1] =	vst.idx.msk $0xffff, v0  }
0x40: {  	[tilespmem:v3+s22+$0x6460 ss:$0x1] =	vst.idx.msk $0xffff, v0  }
0x41: {  	_ =	sdelay $0x3  }
0x42: {  	[tilespmem:v3+s22+$0x6470 ss:$0x1] =	vst.idx.msk $0xffff, v0;
	s31 =	sadd.s32 $0xC8, s21;
	v3 =	vmov s21;
	s21 =	simm.s32 $0x0  }
0x43: {  	s22 =	simm.s32 $0x10;
	s23 =	simm.s32 $0x0;
	v4 =	vmov s31;
	v5 =	vld [tilespmem:s21+$0x0]  }
.LBB2_9:
0x44: {  	p0 =	sne.s32 s22, $0x70;
	_ =	sdelay $0x3  }
0x45: {  	vm0 =	vge.s32 v5, v3;
	vm1 =	vlt.s32 v5, v4;
	v5 =	vshll.u32 v5, $0x7  }
0x46: {  	vm0 =	vmand vm0, vm1;
	v5 =	vadd.s32 s21, v5;
	s21 =	smov.u32 s22  }
0x47: {  	v5 =	vadd.s32 v1, v5;
	_ =	sdelay $0x1  }
.Ltmp3:
0x48: {  	(pc) =	sbr.rel @p0 .LBB2_9-.Ltmp3, $3  }
0x49: {  	_ =	sdelay $0x1  }
0x4a: {  	s23 =	sadd.s32 $0x10, s23;
	[tilespmem:v5+s9+$0x0] =	vst.idx.msk vm0, v2  }
0x4b: {  	s22 =	sadd.s32 $0x10, s22;
	v5 =	vld [tilespmem:s23+$0x0]  }
0x4c: {  	_ =	sdelay $0x3  }
0x4d: {  	vm0 =	vge.s32 v5, v3;
	vm1 =	vlt.s32 v5, v4;
	v3 =	vshll.u32 v5, $0x7  }
0x4e: {  	vm0 =	vmand vm0, vm1;
	v3 =	vadd.s32 s21, v3  }
0x4f: {  	v3 =	vadd.s32 v1, v3  }
0x50: {  	s30 =	smul.u32 $0x19000, s20  }
0x51: {  	s31 =	smul.u32 $0x64000, s20;
	p0 =	sne.s32 s19, $0x5  }
.Ltmp4:
0x52: {  	_ = 	snop;
	(pc) =	sbr.rel @p0 .LBB2_6-.Ltmp4, $4  }
0x53: {  	s21 =	sshra.s32 s30, $0x2  }
0x54: {  	s20 =	sadd.s32 s31, s5;
	s21 =	sor.u32 $0x200, s21;
	[tilespmem:v3+s9+$0x0] =	vst.idx.msk vm0, v2  }
0x55: {  	[hbm4b:s20+s10] =	stream.strided.scatter [tilespmem:s21], [sflag:s19], $0x6400, s11, s10, $0x38;
	[tilespmem:$0x1F600] =	vst v63  }
0x56: {  	s18 =	sadd.s32 $0x6400, s18;
	s20 =	smov.u32 s19  }
0x57: {  	s18 =	simm.s32 $0x1;
	s19 =	simm.s32 $0x0;
	s20 =	simm.s32 $0x80  }
.LBB2_12:
0x58: {  	s21 =	sadd.s32 s6, s18  }
0x59: {  	s23 =	simm.s32 $0x0;
	s21 =	sshll.u32 s21, $0xA  }
.LBB2_13:
0x5a: {  	s22 =	sadd.s32 $0x1, s23  }
0x5b: {  	s24 =	smul.u32 $0xC8, s23;
	_ =	swait.ge [sflag:s22], $0x6400  }
0x5c: {  	[sflag:s22] =	ssyncset.done $0x0  }
0x5d: {  	s26 =	simm.s32 $0x10;
	s25 =	sadd.s32 $0xC8, s24;
	[sflag:s22] =	ssyncadd.s32 $0xFFFF9C00  }
0x5e: {  	s28 =	smov.u32 s19;
	v3 =	vmov s24;
	s24 =	simm.s32 $0x0;
	v4 =	vmov s25;
	s25 =	simm.s32 $0x0;
	v5 =	vld [tilespmem:s19+$0x0]  }
.LBB2_14:
0x5f: {  	p0 =	sne.s32 s26, $0x70;
	_ =	sdelay $0x3  }
0x60: {  	vm0 =	vge.s32 v5, v3;
	vm1 =	vlt.s32 v5, v4;
	v5 =	vshll.u32 v5, $0x7  }
0x61: {  	vm0 =	vmand vm0, vm1;
	v5 =	vadd.s32 s25, v5;
	s25 =	smov.u32 s26  }
0x62: {  	v5 =	vadd.s32 v1, v5;
	_ =	sdelay $0x1  }
.Ltmp5:
0x63: {  	(pc) =	sbr.rel @p0 .LBB2_14-.Ltmp5, $3  }
0x64: {  	_ =	sdelay $0x1  }
0x65: {  	s28 =	sadd.s32 $0x10, s28;
	[tilespmem:v5+s9+$0x0] =	vst.idx.msk vm0, v0  }
0x66: {  	s26 =	sadd.s32 $0x10, s26;
	v5 =	vld [tilespmem:s28+$0x0]  }
0x67: {  	_ =	sdelay $0x3  }
0x68: {  	vm0 =	vge.s32 v5, v3;
	vm1 =	vlt.s32 v5, v4;
	v5 =	vshll.u32 v5, $0x7  }
0x69: {  	vm0 =	vmand vm0, vm1;
	v5 =	vadd.s32 s25, v5  }
0x6a: {  	v5 =	vadd.s32 v1, v5;
	_ =	sdelay $0x4  }
0x6b: {  	[tilespmem:v5+s9+$0x0] =	vst.idx.msk vm0, v0  }
0x6c: {  	s26 =	smov.u32 s20;
	s25 =	simm.s32 $0x10;
	v5 =	vld [tilespmem:s20+$0x0]  }
.LBB2_16:
0x6d: {  	p0 =	sne.s32 s25, $0x70;
	_ =	sdelay $0x3  }
0x6e: {  	vm0 =	vge.s32 v5, v3;
	vm1 =	vlt.s32 v5, v4;
	v5 =	vshll.u32 v5, $0x7  }
0x6f: {  	vm0 =	vmand vm0, vm1;
	v5 =	vadd.s32 s24, v5;
	s24 =	smov.u32 s25  }
0x70: {  	v5 =	vadd.s32 v1, v5;
	_ =	sdelay $0x1  }
.Ltmp6:
0x71: {  	(pc) =	sbr.rel @p0 .LBB2_16-.Ltmp6, $3  }
0x72: {  	_ =	sdelay $0x1  }
0x73: {  	s26 =	sadd.s32 $0x10, s26;
	[tilespmem:v5+s9+$0x0] =	vst.idx.msk vm0, v2  }
0x74: {  	s25 =	sadd.s32 $0x10, s25;
	v5 =	vld [tilespmem:s26+$0x0]  }
0x75: {  	_ =	sdelay $0x3  }
0x76: {  	vm0 =	vge.s32 v5, v3;
	vm1 =	vlt.s32 v5, v4;
	v3 =	vshll.u32 v5, $0x7  }
0x77: {  	vm0 =	vmand vm0, vm1;
	v3 =	vadd.s32 s24, v3  }
0x78: {  	v3 =	vadd.s32 v1, v3  }
0x79: {  	s30 =	smul.u32 $0x320000, s23  }
0x7a: {  	s31 =	smul.u32 $0x19000, s23;
	p0 =	sne.s32 s22, $0x5  }
.Ltmp7:
0x7b: {  	s24 =	sadd.s32 s21, s30;
	(pc) =	sbr.rel @p0 .LBB2_13-.Ltmp7, $4  }
0x7c: {  	s23 =	sshra.s32 s31, $0x2;
	s24 =	sshrl.u32 s24, $0x3  }
0x7d: {  	s23 =	sor.u32 $0x200, s23;
	s24 =	sadd.s32 s2, s24;
	[tilespmem:v3+s9+$0x0] =	vst.idx.msk vm0, v2  }
0x7e: {  	[hbm4b:s24+s10] =	stream.strided.scatter [tilespmem:s23], [sflag:s22], $0x6400, s11, s10, $0x38;
	[tilespmem:$0x1F600] =	vst v63  }
0x7f: {  	s23 =	smov.u32 s22  }
0x80: {  	s18 =	sadd.s32 $0x1, s18  }
0x81: {  	p0 =	sne.s32 s18, $0x4  }
.Ltmp8:
0x82: {  	_ = 	snop;
	(pc) =	sbr.rel @p0 .LBB2_12-.Ltmp8, $2  }
0x83: {  	_ =	sdelay $0x2  }
0x84: {  	s19 =	sadd.s32 $0x80, s19;
	s20 =	sadd.s32 $0x80, s20  }
0x85: {  	_ =	swait.ge [sflag:s12], $0x6400  }
0x86: {  	[sflag:s12] =	ssyncset.done $0x0  }
0x87: {  	[sflag:s12] =	ssyncadd.s32 $0xFFFF9C00  }
0x88: {  	_ =	swait.ge [sflag:s13], $0x6400  }
0x89: {  	[sflag:s13] =	ssyncset.done $0x0  }
0x8a: {  	[sflag:s13] =	ssyncadd.s32 $0xFFFF9C00  }
0x8b: {  	_ =	swait.ge [sflag:s14], $0x6400  }
0x8c: {  	[sflag:s14] =	ssyncset.done $0x0  }
0x8d: {  	s17 =	sadd.s32 $0x1, s17;
	[sflag:s14] =	ssyncadd.s32 $0xFFFF9C00  }
0x8e: {  	p0 =	sne.s32 s17, s7;
	_ =	swait.ge [sflag:s15], $0x6400  }
.Ltmp9:
0x8f: {  	[sflag:s15] =	ssyncset.done $0x0;
	(pc) =	sbr.rel @p0 .LBB2_1-.Ltmp9, $4  }
0x90: {  	[sflag:s15] =	ssyncadd.s32 $0xFFFF9C00  }
0x91: {  	_ =	swait.ge [sflag:s16], $0x6400  }
0x92: {  	[sflag:s16] =	ssyncset.done $0x0  }
0x93: {  	[sflag:s16] =	ssyncadd.s32 $0xFFFF9C00  }
0x94: {  	_ =	sfence.sel $0x180000  }
0x95: {  	[bflag:$0x0] =	sbarrier.arrive $0xFFFF  }
0x96: {  	p0 =	sne.s32 s1, $0x0;
	_ =	strace $0x90000047  }
0x97: {  	s0 =	sadd.s32 @!p0 $0x100000, s0;
	[bflag:$0x2] =	sbarrier.arrive $0xFFFF  }
0x98: {  	[sflag:s0] =	ssyncadd.tile.s32 @!p0 $0x1;
	_ =	shalt  }
.Lfunc_end2:
_tile_overlayer_lowered:
.L_overlay_start_2:
0x99: {  	(tag) =	ssettag $0x2  }
0x9a: {  	s0 =	rddreg [dreg:$0x0];
	s2 =	stileid.u32  }
0x9b: {  	s1 =	rddreg [dreg:$0x1];
	p0 =	sne.s32 s2, $0x0  }
0x9c: {  	s3 =	rddreg [dreg:$0x2];
	[bflag:$0x3] =	sbarrier.arrive $0xFFFF;
	s2 =	simm.s32 @!p0 $0x1C07  }
0x9d: {  	[timem:s3], [sflag:s2] =	dma.local @!p0 [hbm:s0], s1  }
0x9e: {  	s0 =	simm.s32 @!p0 $0x7  }
0x9f: {  	_ =	swait.ge @!p0 [sflag:s0], s1  }
0xa0: {  	s1 =	ssub.s32 @!p0 $0x0, s1;
	[sflag:s0] =	ssyncset.done @!p0 $0x0  }
0xa1: {  	[sflag:s0] =	ssyncadd.s32 @!p0 s1  }
0xa2: {  	[bflag:$0x3] =	sbarrier.arrive $0xFFFF  }
0xa3: {  	_ =	shalt  }

</sc_bundles>
